<compile_context>
chip_gen: v7x
topology: tpu7x:2x2x1
jax: 0.10.2.dev20260603
libtpu: 0.0.44.dev20260713+nightly
codegen_flags: <defaults>
</compile_context>

<pallas_src>
import dataclasses
import functools

import jax
import jax.numpy as jnp
from jax import lax
from jax.experimental import pallas as pl
from jax.experimental.pallas import tpu as pltpu
from jax.experimental.pallas import tpu_sc as plsc

_N = 10000
_E = 320000
_D = 128
_C = 128
_NSUB = 16
_NTILES = 32
_CPT = 79
_EPAD = _C * _NTILES * _CPT
_NPAD = 10112
_RPT = _NPAD // _NSUB


def _sc_scatter(src2, dst2, w2, x, zslab):
    mesh = plsc.VectorSubcoreMesh(core_axis_name="c", subcore_axis_name="s")
    cp = pltpu.CompilerParams()
    if "needs_layout_passes" in pltpu.CompilerParams.__dataclass_fields__:
        cp = dataclasses.replace(cp, needs_layout_passes=False)

    @functools.partial(
        pl.kernel,
        out_type=jax.ShapeDtypeStruct((2 * _NPAD, _D), jnp.float32),
        mesh=mesh,
        compiler_params=cp,
        scratch_types=[
            pltpu.VMEM_SHARED((_NPAD, _D), jnp.float32),
            pltpu.VMEM((1, _C), jnp.int32),
            pltpu.VMEM((1, _C), jnp.int32),
            pltpu.VMEM((_C,), jnp.float32),
            pltpu.VMEM((_C, _D), jnp.float32),
            pltpu.SemaphoreType.DMA,
        ],
    )
    def k(src_hbm, dst_hbm, w_hbm, x_hbm, z_hbm, out_hbm,
          acc, sidx, didx, wbuf, rows, sem):
        c = lax.axis_index("c")
        s = lax.axis_index("s")
        wid = c * _NSUB + s
        slab = s * _RPT

        pltpu.sync_copy(z_hbm, acc.at[pl.ds(slab, _RPT)])
        plsc.subcore_barrier()

        base_chunk = wid * _CPT

        @pl.loop(0, _CPT)
        def _(ci):
            row = base_chunk + ci
            pltpu.sync_copy(src_hbm.at[row], sidx.at[0])
            pltpu.sync_copy(dst_hbm.at[row], didx.at[0])
            pltpu.sync_copy(w_hbm.at[row], wbuf)
            pltpu.async_copy(x_hbm.at[sidx.at[0]], rows, sem).wait()

            @pl.loop(0, _C)
            def _(e):
                wv = plsc.load_gather(wbuf, [jnp.full((16,), e, jnp.int32)])
                for kk in range(8):
                    sl = (e, pl.ds(kk * 16, 16))
                    rows[sl] = rows[sl] * wv

            pltpu.sync_copy(rows, acc.at[didx.at[0]], add=True)

        plsc.subcore_barrier()
        out_base = c * _NPAD + slab
        pltpu.sync_copy(acc.at[pl.ds(slab, _RPT)],
                        out_hbm.at[pl.ds(out_base, _RPT)])

    return k(src2, dst2, w2, x, zslab)


_BLK = 1000


def _tc_finish(x, partials, Wt, b2):
    def body(x_ref, p_ref, wt_ref, b_ref, o_ref):
        g = p_ref[0] + p_ref[1]
        nrm = jnp.sqrt(jnp.sum(g * g, axis=1, keepdims=True))
        gn = g / jnp.maximum(nrm, 1e-12)
        h = jnp.concatenate([x_ref[...], gn], axis=1)
        o = lax.dot_general(h, wt_ref[...], (((1,), (0,)), ((), ())),
                            preferred_element_type=jnp.float32,
                            precision=lax.Precision.HIGHEST) + b_ref[...]
        nrm2 = jnp.sqrt(jnp.sum(o * o, axis=1, keepdims=True))
        o_ref[...] = o / jnp.maximum(nrm2, 1e-12)

    return pl.pallas_call(
        body,
        grid=(_N // _BLK,),
        in_specs=[
            pl.BlockSpec((_BLK, _D), lambda i: (i, 0)),
            pl.BlockSpec((2, _BLK, _D), lambda i: (0, i, 0)),
            pl.BlockSpec((2 * _D, _D), lambda i: (0, 0)),
            pl.BlockSpec((1, _D), lambda i: (0, 0)),
        ],
        out_specs=pl.BlockSpec((_BLK, _D), lambda i: (i, 0)),
        out_shape=jax.ShapeDtypeStruct((_N, _D), jnp.float32),
    )(x, partials, Wt, b2)


def kernel(x, edge_index, edge_weight, W, b):
    src = edge_index[0]
    dst = edge_index[1]
    pad = _EPAD - _E
    src2 = jnp.pad(src, (0, pad)).reshape(_NTILES * _CPT, _C)
    dst2 = jnp.pad(dst, (0, pad)).reshape(_NTILES * _CPT, _C)
    w2 = jnp.pad(edge_weight, (0, pad)).reshape(_NTILES * _CPT, _C)
    zslab = jnp.zeros((_RPT, _D), jnp.float32)
    partials = _sc_scatter(src2, dst2, w2, x, zslab).reshape(2, _NPAD, _D)[:, :_N]
    return _tc_finish(x, partials, W.T, b[None, :])

# --- scband reference (transcript-rebuilt; emitter-appended) ---
"""Pipeline reference for scband-max-cut-lift-layer-14448269983745 (READ-ONLY COPY).

The authoritative reference and input builder live on the scoring server;
editing this copy changes nothing except your own understanding.
"""

import jax, jax.numpy as jnp
import numpy as np

N_NODES = 10000
N_EDGES = 320000
IN_CHANNELS = 128


def setup_inputs(seed: int = 0) -> dict:
    key = jax.random.key(seed)
    k1, k2, k3, k4, k5 = jax.random.split(key, 5)
    x = jax.random.normal(k1, (N_NODES, IN_CHANNELS), dtype=jnp.float32)
    edge_index = jax.random.randint(k2, (2, N_EDGES), 0, N_NODES, dtype=jnp.int64 if jax.config.read('jax_enable_x64') else jnp.int32).astype(jnp.int32)
    edge_weight = jax.random.normal(k3, (N_EDGES,), dtype=jnp.float32)
    # Linear(2*in_channels, in_channels): weight [out, in], bias [out]
    bound = 1.0 / np.sqrt(2 * IN_CHANNELS)
    W = jax.random.uniform(k4, (IN_CHANNELS, 2 * IN_CHANNELS), dtype=jnp.float32, minval=-bound, maxval=bound)
    b = jax.random.uniform(k5, (IN_CHANNELS,), dtype=jnp.float32, minval=-bound, maxval=bound)
    return {"x": x, "edge_index": edge_index, "edge_weight": edge_weight, "W": W, "b": b}


def _l2_normalize(v, axis=1, eps=1e-12):
    # matches torch.nn.functional.normalize: v / max(||v||, eps)
    norm = jnp.sqrt(jnp.sum(v * v, axis=axis, keepdims=True))
    return v / jnp.maximum(norm, eps)


def reference(x, edge_index, edge_weight, W, b):
    src = edge_index[0]
    dst = edge_index[1]
    # MaxCutGradLayer: message = x_j * edge_weight[:, None]; aggr='add' at dst
    msgs = jnp.take(x, src, axis=0) * edge_weight[:, None]
    grads = jax.ops.segment_sum(msgs, dst, num_segments=x.shape[0])
    norm_grads = _l2_normalize(grads, axis=1)
    out = jnp.concatenate([x, norm_grads], axis=1)
    out = out @ W.T + b
    out = _l2_normalize(out, axis=1)
    return out

if __name__ == "__main__":
    import jax
    _d = setup_inputs()
    print(jax.jit(kernel)(*tuple(_d.values())))

</pallas_src>

<mosaic_0001>
#map = affine_map<(d0, d1) -> (0, 0)>
module attributes {stable_mosaic.version = 14 : i64} {
  func.func @k(%arg0: i32, %arg1: i32, %arg2: memref<2528x128xi32, #tpu.memory_space<hbm>>, %arg3: memref<2528x128xi32, #tpu.memory_space<hbm>>, %arg4: memref<2528x128xf32, #tpu.memory_space<hbm>>, %arg5: memref<10000x128xf32, #tpu.memory_space<hbm>>, %arg6: memref<632x128xf32, #tpu.memory_space<hbm>>, %arg7: memref<20224x128xf32, #tpu.memory_space<hbm>>, %arg8: memref<10112x128xf32, #tpu.memory_space<vmem_shared>>, %arg9: memref<1x128xi32, #tpu.memory_space<vmem>>, %arg10: memref<1x128xi32, #tpu.memory_space<vmem>>, %arg11: memref<128xf32, #tpu.memory_space<vmem>>, %arg12: memref<128x128xf32, #tpu.memory_space<vmem>>, %arg13: memref<!tpu.dma_semaphore, #tpu.memory_space<semaphore_mem>>) attributes {dimension_semantics = [#tpu.dimension_semantics<core_parallel>, #tpu.dimension_semantics<subcore_parallel>], iteration_bounds = array<i64: 2, 16>, scalar_prefetch = 0 : i64, scratch_operands = 6 : i64, tpu.core_type = #tpu.core_type<sc_vector_subcore>, window_params = [{transform_indices = #map}, {transform_indices = #map}, {transform_indices = #map}, {transform_indices = #map}, {transform_indices = #map}, {transform_indices = #map}]} {
    %mul3A = arith.constant 16 : i32
    %mul3A_0 = arith.muli %arg0, %mul3A : i32
    %add3A = arith.addi %mul3A_0, %arg1 : i32
    %mul3A_1 = arith.constant 632 : i32
    %mul3A_2 = arith.muli %arg1, %mul3A_1 : i32
    "tpu.region"() ({
      %run_scoped3A = tpu.sem_alloc : memref<!tpu.dma_semaphore, #tpu.memory_space<semaphore_mem>>
      %dma_start3A = arith.constant 0 : i32
      %dma_start3A_13 = tpu.memref_slice %arg8[%mul3A_2, %dma_start3A] : memref<10112x128xf32, #tpu.memory_space<vmem_shared>> -> memref<632x128xf32, #tpu.memory_space<vmem_shared>>
      tpu.enqueue_dma source(%arg6 : memref<632x128xf32, #tpu.memory_space<hbm>>) target(%dma_start3A_13 : memref<632x128xf32, #tpu.memory_space<vmem_shared>>) target_semaphore(%run_scoped3A : memref<!tpu.dma_semaphore, #tpu.memory_space<semaphore_mem>>)
      %dma_wait3A = arith.constant 0 : i32
      %dma_wait3A_14 = tpu.memref_slice %arg8[%mul3A_2, %dma_wait3A] : memref<10112x128xf32, #tpu.memory_space<vmem_shared>> -> memref<632x128xf32, #tpu.memory_space<vmem_shared>>
      tpu.wait_dma2 semaphore(%run_scoped3A : memref<!tpu.dma_semaphore, #tpu.memory_space<semaphore_mem>>) src(%arg6 : memref<632x128xf32, #tpu.memory_space<hbm>>) dst(%dma_wait3A_14 : memref<632x128xf32, #tpu.memory_space<vmem_shared>>)
      tpu.yield
    }) : () -> ()
    %barrier3A = arith.constant 0 : index
    tpu.barrier barrier_id(%barrier3A)
    %mul3A_3 = arith.constant 79 : i32
    %mul3A_4 = arith.muli %add3A, %mul3A_3 : i32
    %scan3A = arith.constant 0 : i32
    %scan3A_5 = arith.constant 79 : i32
    %scan3A_6 = arith.addi %scan3A, %scan3A_5 : i32
    %scan3A_7 = arith.constant 1 : i32
    scf.for %scan3A_13 = %scan3A to %scan3A_6 step %scan3A_7  : i32 {
      %mul3A_14 = arith.constant 1 : i32
      %mul3A_15 = arith.muli %scan3A_13, %mul3A_14 : i32
      %add3A_16 = arith.constant 0 : i32
      %add3A_17 = arith.addi %add3A_16, %mul3A_15 : i32
      %add3A_18 = arith.addi %mul3A_4, %add3A_17 : i32
      %run_scoped3A = arith.constant 0 : i32
      "tpu.region"() ({
        %run_scoped3A_38 = tpu.sem_alloc : memref<!tpu.dma_semaphore, #tpu.memory_space<semaphore_mem>>
        %dma_start3A_39 = arith.constant 0 : i32
        %dma_start3A_40 = tpu.memref_slice %arg9[%run_scoped3A, %dma_start3A_39] : memref<1x128xi32, #tpu.memory_space<vmem>> -> memref<1x128xi32, #tpu.memory_space<vmem>>
        %dma_start3A_41 = tpu.memref_squeeze %dma_start3A_40 : memref<1x128xi32, #tpu.memory_space<vmem>> -> memref<128xi32, #tpu.memory_space<vmem>>
        %dma_start3A_42 = arith.constant 0 : i32
        %dma_start3A_43 = tpu.memref_slice %arg2[%add3A_18, %dma_start3A_42] : memref<2528x128xi32, #tpu.memory_space<hbm>> -> memref<1x128xi32, #tpu.memory_space<hbm>>
        %dma_start3A_44 = tpu.memref_squeeze %dma_start3A_43 : memref<1x128xi32, #tpu.memory_space<hbm>> -> memref<128xi32, #tpu.memory_space<hbm>>
        %dma_start3A_45 = arith.constant 0 : i32
        %dma_start3A_46 = tpu.memref_slice %arg9[%run_scoped3A, %dma_start3A_45] : memref<1x128xi32, #tpu.memory_space<vmem>> -> memref<1x128xi32, #tpu.memory_space<vmem>>
        %dma_start3A_47 = tpu.memref_squeeze %dma_start3A_46 : memref<1x128xi32, #tpu.memory_space<vmem>> -> memref<128xi32, #tpu.memory_space<vmem>>
        %dma_start3A_48 = arith.constant 0 : i32
        %dma_start3A_49 = tpu.memref_slice %arg2[%add3A_18, %dma_start3A_48] : memref<2528x128xi32, #tpu.memory_space<hbm>> -> memref<1x128xi32, #tpu.memory_space<hbm>>
        %dma_start3A_50 = tpu.memref_squeeze %dma_start3A_49 : memref<1x128xi32, #tpu.memory_space<hbm>> -> memref<128xi32, #tpu.memory_space<hbm>>
        tpu.enqueue_dma source(%dma_start3A_50 : memref<128xi32, #tpu.memory_space<hbm>>) target(%dma_start3A_47 : memref<128xi32, #tpu.memory_space<vmem>>) target_semaphore(%run_scoped3A_38 : memref<!tpu.dma_semaphore, #tpu.memory_space<semaphore_mem>>)
        %dma_wait3A_51 = arith.constant 0 : i32
        %dma_wait3A_52 = tpu.memref_slice %arg9[%run_scoped3A, %dma_wait3A_51] : memref<1x128xi32, #tpu.memory_space<vmem>> -> memref<1x128xi32, #tpu.memory_space<vmem>>
        %dma_wait3A_53 = tpu.memref_squeeze %dma_wait3A_52 : memref<1x128xi32, #tpu.memory_space<vmem>> -> memref<128xi32, #tpu.memory_space<vmem>>
        %dma_wait3A_54 = arith.constant 0 : i32
        %dma_wait3A_55 = tpu.memref_slice %arg2[%add3A_18, %dma_wait3A_54] : memref<2528x128xi32, #tpu.memory_space<hbm>> -> memref<1x128xi32, #tpu.memory_space<hbm>>
        %dma_wait3A_56 = tpu.memref_squeeze %dma_wait3A_55 : memref<1x128xi32, #tpu.memory_space<hbm>> -> memref<128xi32, #tpu.memory_space<hbm>>
        %dma_wait3A_57 = arith.constant 0 : i32
        %dma_wait3A_58 = tpu.memref_slice %arg9[%run_scoped3A, %dma_wait3A_57] : memref<1x128xi32, #tpu.memory_space<vmem>> -> memref<1x128xi32, #tpu.memory_space<vmem>>
        %dma_wait3A_59 = tpu.memref_squeeze %dma_wait3A_58 : memref<1x128xi32, #tpu.memory_space<vmem>> -> memref<128xi32, #tpu.memory_space<vmem>>
        %dma_wait3A_60 = arith.constant 0 : i32
        %dma_wait3A_61 = tpu.memref_slice %arg2[%add3A_18, %dma_wait3A_60] : memref<2528x128xi32, #tpu.memory_space<hbm>> -> memref<1x128xi32, #tpu.memory_space<hbm>>
        %dma_wait3A_62 = tpu.memref_squeeze %dma_wait3A_61 : memref<1x128xi32, #tpu.memory_space<hbm>> -> memref<128xi32, #tpu.memory_space<hbm>>
        tpu.wait_dma2 semaphore(%run_scoped3A_38 : memref<!tpu.dma_semaphore, #tpu.memory_space<semaphore_mem>>) src(%dma_wait3A_62 : memref<128xi32, #tpu.memory_space<hbm>>) dst(%dma_wait3A_59 : memref<128xi32, #tpu.memory_space<vmem>>)
        tpu.yield
      }) : () -> ()
      %run_scoped3A_19 = arith.constant 0 : i32
      "tpu.region"() ({
        %run_scoped3A_38 = tpu.sem_alloc : memref<!tpu.dma_semaphore, #tpu.memory_space<semaphore_mem>>
        %dma_start3A_39 = arith.constant 0 : i32
        %dma_start3A_40 = tpu.memref_slice %arg10[%run_scoped3A_19, %dma_start3A_39] : memref<1x128xi32, #tpu.memory_space<vmem>> -> memref<1x128xi32, #tpu.memory_space<vmem>>
        %dma_start3A_41 = tpu.memref_squeeze %dma_start3A_40 : memref<1x128xi32, #tpu.memory_space<vmem>> -> memref<128xi32, #tpu.memory_space<vmem>>
        %dma_start3A_42 = arith.constant 0 : i32
        %dma_start3A_43 = tpu.memref_slice %arg3[%add3A_18, %dma_start3A_42] : memref<2528x128xi32, #tpu.memory_space<hbm>> -> memref<1x128xi32, #tpu.memory_space<hbm>>
        %dma_start3A_44 = tpu.memref_squeeze %dma_start3A_43 : memref<1x128xi32, #tpu.memory_space<hbm>> -> memref<128xi32, #tpu.memory_space<hbm>>
        %dma_start3A_45 = arith.constant 0 : i32
        %dma_start3A_46 = tpu.memref_slice %arg10[%run_scoped3A_19, %dma_start3A_45] : memref<1x128xi32, #tpu.memory_space<vmem>> -> memref<1x128xi32, #tpu.memory_space<vmem>>
        %dma_start3A_47 = tpu.memref_squeeze %dma_start3A_46 : memref<1x128xi32, #tpu.memory_space<vmem>> -> memref<128xi32, #tpu.memory_space<vmem>>
        %dma_start3A_48 = arith.constant 0 : i32
        %dma_start3A_49 = tpu.memref_slice %arg3[%add3A_18, %dma_start3A_48] : memref<2528x128xi32, #tpu.memory_space<hbm>> -> memref<1x128xi32, #tpu.memory_space<hbm>>
        %dma_start3A_50 = tpu.memref_squeeze %dma_start3A_49 : memref<1x128xi32, #tpu.memory_space<hbm>> -> memref<128xi32, #tpu.memory_space<hbm>>
        tpu.enqueue_dma source(%dma_start3A_50 : memref<128xi32, #tpu.memory_space<hbm>>) target(%dma_start3A_47 : memref<128xi32, #tpu.memory_space<vmem>>) target_semaphore(%run_scoped3A_38 : memref<!tpu.dma_semaphore, #tpu.memory_space<semaphore_mem>>)
        %dma_wait3A_51 = arith.constant 0 : i32
        %dma_wait3A_52 = tpu.memref_slice %arg10[%run_scoped3A_19, %dma_wait3A_51] : memref<1x128xi32, #tpu.memory_space<vmem>> -> memref<1x128xi32, #tpu.memory_space<vmem>>
        %dma_wait3A_53 = tpu.memref_squeeze %dma_wait3A_52 : memref<1x128xi32, #tpu.memory_space<vmem>> -> memref<128xi32, #tpu.memory_space<vmem>>
        %dma_wait3A_54 = arith.constant 0 : i32
        %dma_wait3A_55 = tpu.memref_slice %arg3[%add3A_18, %dma_wait3A_54] : memref<2528x128xi32, #tpu.memory_space<hbm>> -> memref<1x128xi32, #tpu.memory_space<hbm>>
        %dma_wait3A_56 = tpu.memref_squeeze %dma_wait3A_55 : memref<1x128xi32, #tpu.memory_space<hbm>> -> memref<128xi32, #tpu.memory_space<hbm>>
        %dma_wait3A_57 = arith.constant 0 : i32
        %dma_wait3A_58 = tpu.memref_slice %arg10[%run_scoped3A_19, %dma_wait3A_57] : memref<1x128xi32, #tpu.memory_space<vmem>> -> memref<1x128xi32, #tpu.memory_space<vmem>>
        %dma_wait3A_59 = tpu.memref_squeeze %dma_wait3A_58 : memref<1x128xi32, #tpu.memory_space<vmem>> -> memref<128xi32, #tpu.memory_space<vmem>>
        %dma_wait3A_60 = arith.constant 0 : i32
        %dma_wait3A_61 = tpu.memref_slice %arg3[%add3A_18, %dma_wait3A_60] : memref<2528x128xi32, #tpu.memory_space<hbm>> -> memref<1x128xi32, #tpu.memory_space<hbm>>
        %dma_wait3A_62 = tpu.memref_squeeze %dma_wait3A_61 : memref<1x128xi32, #tpu.memory_space<hbm>> -> memref<128xi32, #tpu.memory_space<hbm>>
        tpu.wait_dma2 semaphore(%run_scoped3A_38 : memref<!tpu.dma_semaphore, #tpu.memory_space<semaphore_mem>>) src(%dma_wait3A_62 : memref<128xi32, #tpu.memory_space<hbm>>) dst(%dma_wait3A_59 : memref<128xi32, #tpu.memory_space<vmem>>)
        tpu.yield
      }) : () -> ()
      "tpu.region"() ({
        %run_scoped3A_38 = tpu.sem_alloc : memref<!tpu.dma_semaphore, #tpu.memory_space<semaphore_mem>>
        %dma_start3A_39 = arith.constant 0 : i32
        %dma_start3A_40 = tpu.memref_slice %arg4[%add3A_18, %dma_start3A_39] : memref<2528x128xf32, #tpu.memory_space<hbm>> -> memref<1x128xf32, #tpu.memory_space<hbm>>
        %dma_start3A_41 = tpu.memref_squeeze %dma_start3A_40 : memref<1x128xf32, #tpu.memory_space<hbm>> -> memref<128xf32, #tpu.memory_space<hbm>>
        %dma_start3A_42 = arith.constant 0 : i32
        %dma_start3A_43 = tpu.memref_slice %arg4[%add3A_18, %dma_start3A_42] : memref<2528x128xf32, #tpu.memory_space<hbm>> -> memref<1x128xf32, #tpu.memory_space<hbm>>
        %dma_start3A_44 = tpu.memref_squeeze %dma_start3A_43 : memref<1x128xf32, #tpu.memory_space<hbm>> -> memref<128xf32, #tpu.memory_space<hbm>>
        tpu.enqueue_dma source(%dma_start3A_44 : memref<128xf32, #tpu.memory_space<hbm>>) target(%arg11 : memref<128xf32, #tpu.memory_space<vmem>>) target_semaphore(%run_scoped3A_38 : memref<!tpu.dma_semaphore, #tpu.memory_space<semaphore_mem>>)
        %dma_wait3A_45 = arith.constant 0 : i32
        %dma_wait3A_46 = tpu.memref_slice %arg4[%add3A_18, %dma_wait3A_45] : memref<2528x128xf32, #tpu.memory_space<hbm>> -> memref<1x128xf32, #tpu.memory_space<hbm>>
        %dma_wait3A_47 = tpu.memref_squeeze %dma_wait3A_46 : memref<1x128xf32, #tpu.memory_space<hbm>> -> memref<128xf32, #tpu.memory_space<hbm>>
        %dma_wait3A_48 = arith.constant 0 : i32
        %dma_wait3A_49 = tpu.memref_slice %arg4[%add3A_18, %dma_wait3A_48] : memref<2528x128xf32, #tpu.memory_space<hbm>> -> memref<1x128xf32, #tpu.memory_space<hbm>>
        %dma_wait3A_50 = tpu.memref_squeeze %dma_wait3A_49 : memref<1x128xf32, #tpu.memory_space<hbm>> -> memref<128xf32, #tpu.memory_space<hbm>>
        tpu.wait_dma2 semaphore(%run_scoped3A_38 : memref<!tpu.dma_semaphore, #tpu.memory_space<semaphore_mem>>) src(%dma_wait3A_50 : memref<128xf32, #tpu.memory_space<hbm>>) dst(%arg11 : memref<128xf32, #tpu.memory_space<vmem>>)
        tpu.yield
      }) : () -> ()
      %dma_start3A = arith.constant 0 : i32
      %dma_start3A_20 = arith.constant 0 : i32
      %dma_start3A_21 = tpu.memref_slice %arg9[%dma_start3A, %dma_start3A_20] : memref<1x128xi32, #tpu.memory_space<vmem>> -> memref<1x128xi32, #tpu.memory_space<vmem>>
      %dma_start3A_22 = tpu.memref_squeeze %dma_start3A_21 : memref<1x128xi32, #tpu.memory_space<vmem>> -> memref<128xi32, #tpu.memory_space<vmem>>
      %dma_start3A_23 = arith.constant 0 : i32
      %dma_start3A_24 = arith.constant 0 : i32
      %dma_start3A_25 = tpu.memref_slice %arg5[%dma_start3A_23, %dma_start3A_24] : memref<10000x128xf32, #tpu.memory_space<hbm>> -> memref<10000x128xf32, #tpu.memory_space<hbm>>
      tpu.enqueue_indirect_dma source(%dma_start3A_25 : memref<10000x128xf32, #tpu.memory_space<hbm>>) target(%arg12 : memref<128x128xf32, #tpu.memory_space<vmem>>) offsets(%dma_start3A_22 : memref<128xi32, #tpu.memory_space<vmem>>) semaphore(%arg13 : memref<!tpu.dma_semaphore, #tpu.memory_space<semaphore_mem>>)
      %dma_wait3A = arith.constant 0 : i32
      %dma_wait3A_26 = arith.constant 0 : i32
      %dma_wait3A_27 = tpu.memref_slice %arg9[%dma_wait3A, %dma_wait3A_26] : memref<1x128xi32, #tpu.memory_space<vmem>> -> memref<1x128xi32, #tpu.memory_space<vmem>>
      %dma_wait3A_28 = tpu.memref_squeeze %dma_wait3A_27 : memref<1x128xi32, #tpu.memory_space<vmem>> -> memref<128xi32, #tpu.memory_space<vmem>>
      %dma_wait3A_29 = arith.constant 0 : i32
      %dma_wait3A_30 = arith.constant 0 : i32
      %dma_wait3A_31 = tpu.memref_slice %arg5[%dma_wait3A_29, %dma_wait3A_30] : memref<10000x128xf32, #tpu.memory_space<hbm>> -> memref<10000x128xf32, #tpu.memory_space<hbm>>
      tpu.wait_indirect_dma semaphore(%arg13 : memref<!tpu.dma_semaphore, #tpu.memory_space<semaphore_mem>>) src(%dma_wait3A_31 : memref<10000x128xf32, #tpu.memory_space<hbm>>) dst(%arg12 : memref<128x128xf32, #tpu.memory_space<vmem>>)
      %scan3A_32 = arith.constant 0 : i32
      %scan3A_33 = arith.constant 128 : i32
      %scan3A_34 = arith.addi %scan3A_32, %scan3A_33 : i32
      %scan3A_35 = arith.constant 1 : i32
      scf.for %scan3A_38 = %scan3A_32 to %scan3A_34 step %scan3A_35  : i32 {
        %mul3A_39 = arith.constant 1 : i32
        %mul3A_40 = arith.muli %scan3A_38, %mul3A_39 : i32
        %add3A_41 = arith.constant 0 : i32
        %add3A_42 = arith.addi %add3A_41, %mul3A_40 : i32
        %broadcast_in_dim3A = vector.broadcast %add3A_42 : i32 to vector<16xi32>
        %gather3A = tpu.vector_load_idx %arg11[%broadcast_in_dim3A] : memref<128xf32, #tpu.memory_space<vmem>>[vector<16xi32>], vector<16xf32>,
        %get3A = arith.index_cast %add3A_42 : i32 to index
        %get3A_43 = arith.constant 0 : index
        %get3A_44 = tpu.vector_load %arg12[%get3A, %get3A_43] {strides = array<i32>} : memref<128x128xf32, #tpu.memory_space<vmem>>, vector<16xf32>,
        %mul3A_45 = arith.mulf %get3A_44, %gather3A : vector<16xf32>
        %swap3A = arith.index_cast %add3A_42 : i32 to index
        %swap3A_46 = arith.constant 0 : index
        %swap3A_47 = tpu.vector_load %arg12[%swap3A, %swap3A_46] {strides = array<i32>} : memref<128x128xf32, #tpu.memory_space<vmem>>, vector<16xf32>,
        tpu.vector_store %arg12[%swap3A, %swap3A_46], %mul3A_45 {strides = array<i32>} : memref<128x128xf32, #tpu.memory_space<vmem>>, vector<16xf32>,
        %get3A_48 = arith.index_cast %add3A_42 : i32 to index
        %get3A_49 = arith.constant 16 : index
        %get3A_50 = tpu.vector_load %arg12[%get3A_48, %get3A_49] {strides = array<i32>} : memref<128x128xf32, #tpu.memory_space<vmem>>, vector<16xf32>,
        %mul3A_51 = arith.mulf %get3A_50, %gather3A : vector<16xf32>
        %swap3A_52 = arith.index_cast %add3A_42 : i32 to index
        %swap3A_53 = arith.constant 16 : index
        %swap3A_54 = tpu.vector_load %arg12[%swap3A_52, %swap3A_53] {strides = array<i32>} : memref<128x128xf32, #tpu.memory_space<vmem>>, vector<16xf32>,
        tpu.vector_store %arg12[%swap3A_52, %swap3A_53], %mul3A_51 {strides = array<i32>} : memref<128x128xf32, #tpu.memory_space<vmem>>, vector<16xf32>,
        %get3A_55 = arith.index_cast %add3A_42 : i32 to index
        %get3A_56 = arith.constant 32 : index
        %get3A_57 = tpu.vector_load %arg12[%get3A_55, %get3A_56] {strides = array<i32>} : memref<128x128xf32, #tpu.memory_space<vmem>>, vector<16xf32>,
        %mul3A_58 = arith.mulf %get3A_57, %gather3A : vector<16xf32>
        %swap3A_59 = arith.index_cast %add3A_42 : i32 to index
        %swap3A_60 = arith.constant 32 : index
        %swap3A_61 = tpu.vector_load %arg12[%swap3A_59, %swap3A_60] {strides = array<i32>} : memref<128x128xf32, #tpu.memory_space<vmem>>, vector<16xf32>,
        tpu.vector_store %arg12[%swap3A_59, %swap3A_60], %mul3A_58 {strides = array<i32>} : memref<128x128xf32, #tpu.memory_space<vmem>>, vector<16xf32>,
        %get3A_62 = arith.index_cast %add3A_42 : i32 to index
        %get3A_63 = arith.constant 48 : index
        %get3A_64 = tpu.vector_load %arg12[%get3A_62, %get3A_63] {strides = array<i32>} : memref<128x128xf32, #tpu.memory_space<vmem>>, vector<16xf32>,
        %mul3A_65 = arith.mulf %get3A_64, %gather3A : vector<16xf32>
        %swap3A_66 = arith.index_cast %add3A_42 : i32 to index
        %swap3A_67 = arith.constant 48 : index
        %swap3A_68 = tpu.vector_load %arg12[%swap3A_66, %swap3A_67] {strides = array<i32>} : memref<128x128xf32, #tpu.memory_space<vmem>>, vector<16xf32>,
        tpu.vector_store %arg12[%swap3A_66, %swap3A_67], %mul3A_65 {strides = array<i32>} : memref<128x128xf32, #tpu.memory_space<vmem>>, vector<16xf32>,
        %get3A_69 = arith.index_cast %add3A_42 : i32 to index
        %get3A_70 = arith.constant 64 : index
        %get3A_71 = tpu.vector_load %arg12[%get3A_69, %get3A_70] {strides = array<i32>} : memref<128x128xf32, #tpu.memory_space<vmem>>, vector<16xf32>,
        %mul3A_72 = arith.mulf %get3A_71, %gather3A : vector<16xf32>
        %swap3A_73 = arith.index_cast %add3A_42 : i32 to index
        %swap3A_74 = arith.constant 64 : index
        %swap3A_75 = tpu.vector_load %arg12[%swap3A_73, %swap3A_74] {strides = array<i32>} : memref<128x128xf32, #tpu.memory_space<vmem>>, vector<16xf32>,
        tpu.vector_store %arg12[%swap3A_73, %swap3A_74], %mul3A_72 {strides = array<i32>} : memref<128x128xf32, #tpu.memory_space<vmem>>, vector<16xf32>,
        %get3A_76 = arith.index_cast %add3A_42 : i32 to index
        %get3A_77 = arith.constant 80 : index
        %get3A_78 = tpu.vector_load %arg12[%get3A_76, %get3A_77] {strides = array<i32>} : memref<128x128xf32, #tpu.memory_space<vmem>>, vector<16xf32>,
        %mul3A_79 = arith.mulf %get3A_78, %gather3A : vector<16xf32>
        %swap3A_80 = arith.index_cast %add3A_42 : i32 to index
        %swap3A_81 = arith.constant 80 : index
        %swap3A_82 = tpu.vector_load %arg12[%swap3A_80, %swap3A_81] {strides = array<i32>} : memref<128x128xf32, #tpu.memory_space<vmem>>, vector<16xf32>,
        tpu.vector_store %arg12[%swap3A_80, %swap3A_81], %mul3A_79 {strides = array<i32>} : memref<128x128xf32, #tpu.memory_space<vmem>>, vector<16xf32>,
        %get3A_83 = arith.index_cast %add3A_42 : i32 to index
        %get3A_84 = arith.constant 96 : index
        %get3A_85 = tpu.vector_load %arg12[%get3A_83, %get3A_84] {strides = array<i32>} : memref<128x128xf32, #tpu.memory_space<vmem>>, vector<16xf32>,
        %mul3A_86 = arith.mulf %get3A_85, %gather3A : vector<16xf32>
        %swap3A_87 = arith.index_cast %add3A_42 : i32 to index
        %swap3A_88 = arith.constant 96 : index
        %swap3A_89 = tpu.vector_load %arg12[%swap3A_87, %swap3A_88] {strides = array<i32>} : memref<128x128xf32, #tpu.memory_space<vmem>>, vector<16xf32>,
        tpu.vector_store %arg12[%swap3A_87, %swap3A_88], %mul3A_86 {strides = array<i32>} : memref<128x128xf32, #tpu.memory_space<vmem>>, vector<16xf32>,
        %get3A_90 = arith.index_cast %add3A_42 : i32 to index
        %get3A_91 = arith.constant 112 : index
        %get3A_92 = tpu.vector_load %arg12[%get3A_90, %get3A_91] {strides = array<i32>} : memref<128x128xf32, #tpu.memory_space<vmem>>, vector<16xf32>,
        %mul3A_93 = arith.mulf %get3A_92, %gather3A : vector<16xf32>
        %swap3A_94 = arith.index_cast %add3A_42 : i32 to index
        %swap3A_95 = arith.constant 112 : index
        %swap3A_96 = tpu.vector_load %arg12[%swap3A_94, %swap3A_95] {strides = array<i32>} : memref<128x128xf32, #tpu.memory_space<vmem>>, vector<16xf32>,
        tpu.vector_store %arg12[%swap3A_94, %swap3A_95], %mul3A_93 {strides = array<i32>} : memref<128x128xf32, #tpu.memory_space<vmem>>, vector<16xf32>,
      }
      %scan3A_36 = arith.constant 128 : i32
      %run_scoped3A_37 = arith.constant 0 : i32
      "tpu.region"() ({
        %run_scoped3A_38 = tpu.sem_alloc : memref<!tpu.dma_semaphore, #tpu.memory_space<semaphore_mem>>
        %dma_start3A_39 = arith.constant 0 : i32
        %dma_start3A_40 = tpu.memref_slice %arg10[%run_scoped3A_37, %dma_start3A_39] : memref<1x128xi32, #tpu.memory_space<vmem>> -> memref<1x128xi32, #tpu.memory_space<vmem>>
        %dma_start3A_41 = tpu.memref_squeeze %dma_start3A_40 : memref<1x128xi32, #tpu.memory_space<vmem>> -> memref<128xi32, #tpu.memory_space<vmem>>
        %dma_start3A_42 = arith.constant 0 : i32
        %dma_start3A_43 = arith.constant 0 : i32
        %dma_start3A_44 = tpu.memref_slice %arg8[%dma_start3A_42, %dma_start3A_43] : memref<10112x128xf32, #tpu.memory_space<vmem_shared>> -> memref<10112x128xf32, #tpu.memory_space<vmem_shared>>
        tpu.enqueue_indirect_dma source(%arg12 : memref<128x128xf32, #tpu.memory_space<vmem>>) target(%dma_start3A_44 : memref<10112x128xf32, #tpu.memory_space<vmem_shared>>) offsets(%dma_start3A_41 : memref<128xi32, #tpu.memory_space<vmem>>) semaphore(%run_scoped3A_38 : memref<!tpu.dma_semaphore, #tpu.memory_space<semaphore_mem>>) {add = true}
        %dma_wait3A_45 = arith.constant 0 : i32
        %dma_wait3A_46 = tpu.memref_slice %arg10[%run_scoped3A_37, %dma_wait3A_45] : memref<1x128xi32, #tpu.memory_space<vmem>> -> memref<1x128xi32, #tpu.memory_space<vmem>>
        %dma_wait3A_47 = tpu.memref_squeeze %dma_wait3A_46 : memref<1x128xi32, #tpu.memory_space<vmem>> -> memref<128xi32, #tpu.memory_space<vmem>>
        %dma_wait3A_48 = arith.constant 0 : i32
        %dma_wait3A_49 = arith.constant 0 : i32
        %dma_wait3A_50 = tpu.memref_slice %arg8[%dma_wait3A_48, %dma_wait3A_49] : memref<10112x128xf32, #tpu.memory_space<vmem_shared>> -> memref<10112x128xf32, #tpu.memory_space<vmem_shared>>
        tpu.wait_indirect_dma semaphore(%run_scoped3A_38 : memref<!tpu.dma_semaphore, #tpu.memory_space<semaphore_mem>>) src(%arg12 : memref<128x128xf32, #tpu.memory_space<vmem>>) dst(%dma_wait3A_50 : memref<10112x128xf32, #tpu.memory_space<vmem_shared>>)
        tpu.yield
      }) : () -> ()
    }
    %scan3A_8 = arith.constant 79 : i32
    %barrier3A_9 = arith.constant 0 : index
    tpu.barrier barrier_id(%barrier3A_9)
    %mul3A_10 = arith.constant 10112 : i32
    %mul3A_11 = arith.muli %arg0, %mul3A_10 : i32
    %add3A_12 = arith.addi %mul3A_11, %mul3A_2 : i32
    "tpu.region"() ({
      %run_scoped3A = tpu.sem_alloc : memref<!tpu.dma_semaphore, #tpu.memory_space<semaphore_mem>>
      %dma_start3A = arith.constant 0 : i32
      %dma_start3A_13 = tpu.memref_slice %arg7[%add3A_12, %dma_start3A] : memref<20224x128xf32, #tpu.memory_space<hbm>> -> memref<632x128xf32, #tpu.memory_space<hbm>>
      %dma_start3A_14 = arith.constant 0 : i32
      %dma_start3A_15 = tpu.memref_slice %arg8[%mul3A_2, %dma_start3A_14] : memref<10112x128xf32, #tpu.memory_space<vmem_shared>> -> memref<632x128xf32, #tpu.memory_space<vmem_shared>>
      tpu.enqueue_dma source(%dma_start3A_15 : memref<632x128xf32, #tpu.memory_space<vmem_shared>>) target(%dma_start3A_13 : memref<632x128xf32, #tpu.memory_space<hbm>>) target_semaphore(%run_scoped3A : memref<!tpu.dma_semaphore, #tpu.memory_space<semaphore_mem>>)
      %dma_wait3A = arith.constant 0 : i32
      %dma_wait3A_16 = tpu.memref_slice %arg7[%add3A_12, %dma_wait3A] : memref<20224x128xf32, #tpu.memory_space<hbm>> -> memref<632x128xf32, #tpu.memory_space<hbm>>
      %dma_wait3A_17 = arith.constant 0 : i32
      %dma_wait3A_18 = tpu.memref_slice %arg8[%mul3A_2, %dma_wait3A_17] : memref<10112x128xf32, #tpu.memory_space<vmem_shared>> -> memref<632x128xf32, #tpu.memory_space<vmem_shared>>
      tpu.wait_dma2 semaphore(%run_scoped3A : memref<!tpu.dma_semaphore, #tpu.memory_space<semaphore_mem>>) src(%dma_wait3A_18 : memref<632x128xf32, #tpu.memory_space<vmem_shared>>) dst(%dma_wait3A_16 : memref<632x128xf32, #tpu.memory_space<hbm>>)
      tpu.yield
    }) : () -> ()
    return
  }
}

module attributes {stable_mosaic.version = 14 : i64} {
  func.func @body(%arg0: i32, %arg1: memref<1000x128xf32, #tpu.memory_space<vmem>>, %arg2: memref<2x1000x128xf32, #tpu.memory_space<vmem>>, %arg3: memref<256x128xf32, #tpu.memory_space<vmem>>, %arg4: memref<1x128xf32, #tpu.memory_space<vmem>>, %arg5: memref<1000x128xf32, #tpu.memory_space<vmem>>) attributes {dimension_semantics = [#tpu.dimension_semantics<arbitrary>], iteration_bounds = array<i64: 10>, scalar_prefetch = 0 : i64, scratch_operands = 0 : i64, tpu.core_type = #tpu.core_type<tc>, window_params = [{transform_indices = @transform_0, window_bounds = array<i64: 1000, 128>}, {transform_indices = @transform_1, window_bounds = array<i64: 2, 1000, 128>}, {pipeline_mode = #tpu.pipeline_mode<synchronous>, transform_indices = @transform_2, window_bounds = array<i64: 256, 128>}, {pipeline_mode = #tpu.pipeline_mode<synchronous>, transform_indices = @transform_3, window_bounds = array<i64: 1, 128>}, {transform_indices = @transform_4, window_bounds = array<i64: 1000, 128>}]} {
    %get3A = arith.constant 0 : index
    %get3A_0 = arith.constant 0 : index
    %get3A_1 = arith.constant 0 : index
    %get3A_2 = vector.load %arg2[%get3A, %get3A_0, %get3A_1] : memref<2x1000x128xf32, #tpu.memory_space<vmem>>, vector<1x1000x128xf32>
    %get3A_3 = vector.shape_cast %get3A_2 : vector<1x1000x128xf32> to vector<1000x128xf32>
    %get3A_4 = arith.constant 1 : index
    %get3A_5 = arith.constant 0 : index
    %get3A_6 = arith.constant 0 : index
    %get3A_7 = vector.load %arg2[%get3A_4, %get3A_5, %get3A_6] : memref<2x1000x128xf32, #tpu.memory_space<vmem>>, vector<1x1000x128xf32>
    %get3A_8 = vector.shape_cast %get3A_7 : vector<1x1000x128xf32> to vector<1000x128xf32>
    %add3A = arith.addf %get3A_3, %get3A_8 : vector<1000x128xf32>
    %mul3A = arith.mulf %add3A, %add3A : vector<1000x128xf32>
    %reduce_sum3A = arith.constant dense<0.000000e+00> : vector<1000xf32>
    %reduce_sum3A_9 = vector.multi_reduction <add>, %mul3A, %reduce_sum3A [1] : vector<1000x128xf32> to vector<1000xf32>
    %broadcast_in_dim3A = vector.shape_cast %reduce_sum3A_9 : vector<1000xf32> to vector<1000x1xf32>
    %sqrt3A = math.sqrt %broadcast_in_dim3A : vector<1000x1xf32>
    %max3A = arith.constant 9.99999996E-13 : f32
    %max3A_10 = vector.broadcast %max3A : f32 to vector<1000x1xf32>
    %max3A_11 = arith.maximumf %sqrt3A, %max3A_10 : vector<1000x1xf32>
    %div3A = vector.broadcast %max3A_11 : vector<1000x1xf32> to vector<1000x128xf32>
    %div3A_12 = arith.divf %add3A, %div3A : vector<1000x128xf32>
    %get3A_13 = arith.constant 0 : index
    %get3A_14 = arith.constant 0 : index
    %get3A_15 = vector.load %arg1[%get3A_13, %get3A_14] : memref<1000x128xf32, #tpu.memory_space<vmem>>, vector<1000x128xf32>
    %concatenate3A = tpu.concatenate %get3A_15, %div3A_12 in 1 : vector<1000x128xf32>, vector<1000x128xf32> -> vector<1000x256xf32>
    %get3A_16 = arith.constant 0 : index
    %get3A_17 = arith.constant 0 : index
    %get3A_18 = vector.load %arg3[%get3A_16, %get3A_17] : memref<256x128xf32, #tpu.memory_space<vmem>>, vector<256x128xf32>
    %dot_general3A = arith.constant dense<0.000000e+00> : vector<1000x128xf32>
    %dot_general3A_19 = tpu.matmul %concatenate3A, %get3A_18, %dot_general3A {dimension_numbers = #tpu.dot_dimension_numbers<[1], [0], [0], [1], [0, 0, 1, 1], [], []>, precision = #tpu.contract_precision<fp32>, transpose_lhs_hint = false} : vector<1000x256xf32>, vector<256x128xf32>, vector<1000x128xf32> -> vector<1000x128xf32>
    %get3A_20 = arith.constant 0 : index
    %get3A_21 = arith.constant 0 : index
    %get3A_22 = vector.load %arg4[%get3A_20, %get3A_21] : memref<1x128xf32, #tpu.memory_space<vmem>>, vector<1x128xf32>
    %add3A_23 = vector.broadcast %get3A_22 : vector<1x128xf32> to vector<1000x128xf32>
    %add3A_24 = arith.addf %dot_general3A_19, %add3A_23 : vector<1000x128xf32>
    %mul3A_25 = arith.mulf %add3A_24, %add3A_24 : vector<1000x128xf32>
    %reduce_sum3A_26 = arith.constant dense<0.000000e+00> : vector<1000xf32>
    %reduce_sum3A_27 = vector.multi_reduction <add>, %mul3A_25, %reduce_sum3A_26 [1] : vector<1000x128xf32> to vector<1000xf32>
    %broadcast_in_dim3A_28 = vector.shape_cast %reduce_sum3A_27 : vector<1000xf32> to vector<1000x1xf32>
    %sqrt3A_29 = math.sqrt %broadcast_in_dim3A_28 : vector<1000x1xf32>
    %max3A_30 = arith.constant 9.99999996E-13 : f32
    %max3A_31 = vector.broadcast %max3A_30 : f32 to vector<1000x1xf32>
    %max3A_32 = arith.maximumf %sqrt3A_29, %max3A_31 : vector<1000x1xf32>
    %div3A_33 = vector.broadcast %max3A_32 : vector<1000x1xf32> to vector<1000x128xf32>
    %div3A_34 = arith.divf %add3A_24, %div3A_33 : vector<1000x128xf32>
    %swap3A = arith.constant 0 : index
    %swap3A_35 = arith.constant 0 : index
    %swap3A_36 = vector.load %arg5[%swap3A, %swap3A_35] : memref<1000x128xf32, #tpu.memory_space<vmem>>, vector<1000x128xf32>
    tpu.vector_store %arg5[%swap3A, %swap3A_35], %div3A_34 {strides = array<i32>} : memref<1000x128xf32, #tpu.memory_space<vmem>>, vector<1000x128xf32>,
    return
  }
  func.func @transform_0(%arg0: i32) -> (i32, i32) {
    %c0_i32 = arith.constant 0 : i32
    %c0_i32_0 = arith.constant 0 : i32
    return %arg0, %c0_i32 : i32, i32
  }
  func.func @transform_1(%arg0: i32) -> (i32, i32, i32) {
    %c0_i32 = arith.constant 0 : i32
    %c0_i32_0 = arith.constant 0 : i32
    %c0_i32_1 = arith.constant 0 : i32
    return %c0_i32, %arg0, %c0_i32_0 : i32, i32, i32
  }
  func.func @transform_2(%arg0: i32) -> (i32, i32) {
    %c0_i32 = arith.constant 0 : i32
    %c0_i32_0 = arith.constant 0 : i32
    %c0_i32_1 = arith.constant 0 : i32
    return %c0_i32, %c0_i32_0 : i32, i32
  }
  func.func @transform_3(%arg0: i32) -> (i32, i32) {
    %c0_i32 = arith.constant 0 : i32
    %c0_i32_0 = arith.constant 0 : i32
    %c0_i32_1 = arith.constant 0 : i32
    return %c0_i32, %c0_i32_0 : i32, i32
  }
  func.func @transform_4(%arg0: i32) -> (i32, i32) {
    %c0_i32 = arith.constant 0 : i32
    %c0_i32_0 = arith.constant 0 : i32
    return %arg0, %c0_i32 : i32, i32
  }
}

</mosaic_0001>

<sc_bundles>
// kernel: kernel.4.cloned.1.call-start
scs
__scs_entry_jumppad:
0x0: {  	(pc) =	sbr.rel $0x88, $3  }
0x1: {  	(tag) =	ssettag $0x0;
	lr =	simm.s32 $0x1  }
0x2: {  	[smem:$0x3F9C] =	sst lr;
	_ =	strace $0xD0000000  }
0x3: {  	_ = 	snop  }
0x4: {  	_ = 	snop  }
0x5: {  	_ = 	snop  }
0x6: {  	_ = 	snop  }
0x7: {  	_ = 	snop  }
__scs_overlays_trampoline_lowered:
0x8: {  	[smem:$0x3FAB] =	sst s0  }
0x9: {  	[smem:$0x3FAC] =	sst s1  }
0xa: {  	[smem:$0x3FAD] =	sst s2  }
0xb: {  	[smem:$0x3FAE] =	sst s3  }
0xc: {  	[smem:$0x3FAF] =	sst s4  }
0xd: {  	[smem:$0x3FB0] =	sst s5  }
0xe: {  	[smem:$0x3FB1] =	sst s6  }
0xf: {  	[smem:$0x3FB2] =	sst s7  }
0x10: {  	[smem:$0x3FB3] =	sst s8  }
0x11: {  	[smem:$0x3FB4] =	sst s9;
	s0 =	simm.s32 @!p0 $0x0  }
0x12: {  	s1 =	sld [smem:$0x3F9A];
	s0 =	simm.s32 @p0 $0x1  }
0x13: {  	[smem:$0x3FB5] =	sst s0;
	s0 =	simm.s32 @!p1 $0x0  }
0x14: {  	s2 =	sld [smem:$0x3F99];
	s0 =	simm.s32 @p1 $0x1  }
0x15: {  	[smem:$0x3FB6] =	sst s0;
	s0 =	simm.s32 @!p2 $0x0  }
0x16: {  	s3 =	sld [smem:$0x3FDB];
	s0 =	simm.s32 @p2 $0x1  }
0x17: {  	s4 =	simm.s32 $0x1BF5;
	[smem:$0x3FB8] =	sst s0  }
0x18: {  	s0 =	sld [smem:$0x3F9B];
	_ =	swait.ge [sflag:s4], $0x0  }
0x19: {  	s7 =	sld [smem:$0x3F9C]  }
0x1a: {  	s8 =	sadd.s32 $0xFFFFE003, lr  }
0x1b: {  	s9 =	sadd.s32 $0xFFFFFEF7, lr;
	s5 =	simm.s32 $0xFFFFFFFF;
	p2 =	slt.u32 s8, $0xFFFFF086  }
0x1c: {  	p1 =	slt.u32 s9, $0xF7A;
	s5 =	simm.s32 @!p2 $0x0  }
0x1d: {  	s5 =	simm.s32 @p1 $0x1;
	p0 =	seq.s32 s7, s2  }
0x1e: {  	s7 =	smul.u32 @!p0 $0xF7A, s2;
	p2 =	seq.s32 @!p0 s5, $0x0  }
0x1f: {  	s9 =	smul.u32 $0xF7A, s1;
	s8 =	simm.s32 @!p0 $0x1BF5;
	p2 =	por !p2, p0  }
0x20: {  	[sflag:s8] =	ssyncset.s32 @!p0 $0xFFFFF086;
	s6 =	sadd.s32 @!p0 s3, s7;
	s7 =	simm.s32 @!p0 $0x108  }
0x21: {  	s3 =	sadd.s32 s3, s9;
	s6 =	sadd.s32 @!p0 $0x88, s6;
	s7 =	simm.s32 @p2 $0x1082  }
0x22: {  	[simem:s7], [sflag:s8] =	dma.local @!p0 [hbm:s6], $0xF7A  }
0x23: {  	s9 =	sor.u32 $0xD0000000, s2;
	s6 =	simm.s32 $0x108;
	_ =	swait.ge @!p0 [sflag:s8], $0x0  }
0x24: {  	s3 =	sadd.s32 $0x88, s3;
	s6 =	simm.s32 @!p1 $0x1082;
	[sflag:s4] =	ssyncset.s32 $0xFFFFF086  }
0x25: {  	[simem:s6], [sflag:s4] =	dma.local [hbm:s3], $0xF7A  }
0x26: {  	[smem:$0x3F9C] =	sst s1;
	(tag) =	ssettag s2;
	_ =	strace s9  }
0x27: {  	s1 =	sld [smem:$0x3FAC]  }
0x28: {  	s2 =	sld [smem:$0x3FAD]  }
0x29: {  	s4 =	sld [smem:$0x3FAF]  }
0x2a: {  	p0 =	seq.s32 s5, $0x0;
	s5 =	sld [smem:$0x3FB0]  }
0x2b: {  	s6 =	sld [smem:$0x3FB1]  }
0x2c: {  	s7 =	sld [smem:$0x3FB2]  }
0x2d: {  	s3 =	simm.s32 $0x108;
	s8 =	sld [smem:$0x3FB3]  }
0x2e: {  	s3 =	simm.s32 @!p0 $0x1082;
	s9 =	sld [smem:$0x3FB4]  }
0x2f: {  	lr =	sadd.s32 s0, s3;
	s0 =	sld [smem:$0x3FAB]  }
0x30: {  	s3 =	sld [smem:$0x3FAE]  }
0x31: {  	[smem:$0x3FB7] =	sst s10  }
0x32: {  	s10 =	sld [smem:$0x3FB5];
	_ =	sdelay $0x3  }
0x33: {  	p0 =	seq.s32 s10, $0x1;
	s10 =	sld [smem:$0x3FB7];
	_ =	sdelay $0x3  }
0x34: {  	[smem:$0x3FB7] =	sst s10  }
0x35: {  	s10 =	sld [smem:$0x3FB6];
	_ =	sdelay $0x3  }
0x36: {  	p1 =	seq.s32 s10, $0x1;
	s10 =	sld [smem:$0x3FB7];
	_ =	sdelay $0x3  }
0x37: {  	[smem:$0x3FB7] =	sst s10  }
0x38: {  	s10 =	sld [smem:$0x3FB8]  }
0x39: {  	_ = 	snop;
	(pc) =	sbr.ind lr, $3  }
0x3a: {  	_ = 	snop  }
0x3b: {  	_ = 	snop  }
0x3c: {  	p2 =	seq.s32 s10, $0x1;
	s10 =	sld [smem:$0x3FB7]  }
0x3d: {  	_ =	shalt  }
0x3e: {  	_ =	shalt  }
0x3f: {  	_ =	shalt  }
0x40: {  	_ =	shalt  }
0x41: {  	_ =	shalt  }
0x42: {  	_ =	shalt  }
0x43: {  	_ =	shalt  }
0x44: {  	_ =	shalt  }
0x45: {  	_ =	shalt  }
0x46: {  	_ =	shalt  }
0x47: {  	_ =	shalt  }
0x48: {  	_ =	shalt  }
0x49: {  	_ =	shalt  }
0x4a: {  	_ =	shalt  }
0x4b: {  	_ =	shalt  }
0x4c: {  	_ =	shalt  }
0x4d: {  	_ =	shalt  }
0x4e: {  	_ =	shalt  }
0x4f: {  	_ =	shalt  }
0x50: {  	_ =	shalt  }
0x51: {  	_ =	shalt  }
0x52: {  	_ =	shalt  }
0x53: {  	_ =	shalt  }
0x54: {  	_ =	shalt  }
0x55: {  	_ =	shalt  }
0x56: {  	_ =	shalt  }
0x57: {  	_ =	shalt  }
0x58: {  	_ =	shalt  }
0x59: {  	_ =	shalt  }
0x5a: {  	_ =	shalt  }
0x5b: {  	_ =	shalt  }
0x5c: {  	_ =	shalt  }
0x5d: {  	_ =	shalt  }
0x5e: {  	_ =	shalt  }
0x5f: {  	_ =	shalt  }
0x60: {  	_ =	shalt  }
0x61: {  	_ =	shalt  }
0x62: {  	_ =	shalt  }
0x63: {  	_ =	shalt  }
0x64: {  	_ =	shalt  }
0x65: {  	_ =	shalt  }
0x66: {  	_ =	shalt  }
0x67: {  	_ =	shalt  }
0x68: {  	_ =	shalt  }
0x69: {  	_ =	shalt  }
0x6a: {  	_ =	shalt  }
0x6b: {  	_ =	shalt  }
0x6c: {  	_ =	shalt  }
0x6d: {  	_ =	shalt  }
0x6e: {  	_ =	shalt  }
0x6f: {  	_ =	shalt  }
0x70: {  	_ =	shalt  }
0x71: {  	_ =	shalt  }
0x72: {  	_ =	shalt  }
0x73: {  	_ =	shalt  }
0x74: {  	_ =	shalt  }
0x75: {  	_ =	shalt  }
0x76: {  	_ =	shalt  }
0x77: {  	_ =	shalt  }
0x78: {  	_ =	shalt  }
0x79: {  	_ =	shalt  }
0x7a: {  	_ =	shalt  }
0x7b: {  	_ =	shalt  }
0x7c: {  	_ =	shalt  }
0x7d: {  	_ =	shalt  }
0x7e: {  	_ =	shalt  }
0x7f: {  	_ =	shalt  }
0x80: {  	_ =	shalt  }
0x81: {  	_ =	shalt  }
0x82: {  	_ =	shalt  }
0x83: {  	_ =	shalt  }
0x84: {  	_ =	shalt  }
0x85: {  	_ =	shalt  }
0x86: {  	_ =	shalt  }
0x87: {  	_ =	shalt  }
.Lfunc_end0:
.L_simem_size_0:
called_computation_lowered:
.L_overlay_start_0:
0x88: {  	s2 =	sld [smem:$0x3FD9]  }
0x89: {  	s3 =	sld [smem:$0x3FFE];
	_ =	sdelay $0x1  }
0x8a: {  	s1 =	srdreg.scid  }
0x8b: {  	s0 =	sand.u32 $0x1, s1  }
0x8c: {  	s17 =	sshll.u32 s0, $0xA;
	s2 =	sadd.s32 s3, s2  }
0x8d: {  	s2 =	sadd.s32 s2, s17  }
0x8e: {  	[smem:$0x3FC3] =	sst s2  }
0x8f: {  	_ = 	snop  }
0x90: {  	s2 =	sld [smem:$0x3FC9]  }
0x91: {  	s18 =	sld [smem:$0x3FD0];
	(tm) =	ssettm $0x1  }
0x92: {  	s4 =	sld [smem:$0x3FFB];
	_ =	sdelay $0x3  }
0x93: {  	_ =	strace s4  }
0x94: {  	s4 =	sld [smem:$0x3FFC];
	_ =	sdelay $0x3  }
0x95: {  	_ =	strace s4  }
0x96: {  	s4 =	sld [smem:$0x3FFD];
	_ =	sdelay $0x3  }
0x97: {  	_ =	strace s4  }
0x98: {  	_ =	strace $0x8FFFFFFF  }
0x99: {  	s19 =	sld [smem:$0x3FDB];
	_ =	sdelay $0x1  }
0x9a: {  	s5 =	simm.s32 $_scs_section_size  }
0x9b: {  	s6 =	simm.s32 $_size__tile_overlayer_lowered;
	s7 =	simm.s32 $_tile_overlayer_lowered  }
0x9c: {  	s22 =	simm.s32 $0x1BFF;
	s21 =	sshll.u32 s7, $0x1;
	s4 =	sadd.s32 s5, s19  }
0x9d: {  	s8 =	simm.s32 $0x0;
	s20 =	sshll.u32 s6, $0x1;
	s6 =	sadd.s32 s21, s4  }
0x9e: {  	[timem:s8], [sflag:s22] =	dma.local [hbm:s6], s20  }
0x9f: {  	_ =	swait.ge [sflag:s22], s20  }
0xa0: {  	s5 =	ssub.s32 $0x0, s20;
	[sflag:s22] =	ssyncset.done $0x0  }
0xa1: {  	[sflag:s22] =	ssyncadd.s32 s5;
	_ =	sdelay $0x1  }
0xa2: {  	s23 =	simm.s32 $0x1B8B  }
0xa3: {  	_ =	swait.ge [sflag:s23], $0x1  }
0xa4: {  	[sflag:s23] =	ssyncset.done $0x0  }
0xa5: {  	s25 =	simm.s32 $0x1B8E;
	s24 =	sld [smem:$0x3FFE];
	[sflag:s23] =	ssyncadd.s32 $0xFFFFFFFF  }
0xa6: {  	s26 =	simm.s32 $execute0_lowered;
	[smem:$0x3FD2] =	sst s25  }
0xa7: {  	s6 =	sshll.u32 s26, $0x1;
	_ =	strace $0x80000046;
	[dreg:$0x1] =	wrdreg $0xFFFFFFFF  }
0xa8: {  	s28 =	simm.s32 $_size_execute0_lowered;
	s4 =	sadd.s32 s4, s6;
	[dreg:$0x0] =	wrdreg $0x0  }
0xa9: {  	s6 =	sshll.u32 s28, $0x1;
	[dreg:$0x2] =	wrdreg s4  }
0xaa: {  	[dreg:$0x3] =	wrdreg s6  }
0xab: {  	[dreg:$0x4] =	wrdreg $0xC0  }
0xac: {  	_ =	task [dreg:s8], $0x5FFFF  }
0xad: {  	[dreg:$0x1] =	wrdreg $0xFFFFFFFF  }
0xae: {  	[dreg:$0x0] =	wrdreg $0x60  }
0xaf: {  	[dreg:$0x2] =	wrdreg s24  }
0xb0: {  	[dreg:$0x3] =	wrdreg s18  }
0xb1: {  	[dreg:$0x4] =	wrdreg s2  }
0xb2: {  	[dreg:$0x5] =	wrdreg $0x0  }
0xb3: {  	[dreg:$0x6] =	wrdreg $0x9  }
0xb4: {  	_ =	task.clear_ibuf [dreg:s8], $0x7FFFF;
	_ =	strace $0x90000046  }
0xb5: {  	s29 =	simm.s32 $0x9;
	_ =	strace $0x80000048  }
0xb6: {  	_ =	swait.ge [sflag:s29], $0x1  }
0xb7: {  	[sflag:s29] =	ssyncadd.s32 $0xFFFFFFFF  }
0xb8: {  	_ =	strace $0x90000048  }
0xb9: {  	_ =	sfence  }
0xba: {  	s30 =	sld [smem:$0x0];
	_ =	sdelay $0x2  }
0xbb: {  	s31 =	sshll.u32 s1, $0xD;
	s1 =	sshrl.u32 s1, $0x2  }
0xbc: {  	s3 =	sand.u32 $0x4000, s31;
	s1 =	sadd.s32 s1, s30  }
0xbd: {  	s0 =	sor.u32 s3, s0;
	s1 =	sshll.u32 s1, $0x11  }
0xbe: {  	s0 =	sor.u32 s1, s0  }
0xbf: {  	s0 =	sadd.s32 $0x8F2B, s0  }
0xc0: {  	[sflag:s0] =	ssyncadd.remote.s32 $0x1  }
0xc1: {  	_ =	sfence.sel $0xFFFF  }
0xc2: {  	[dreg:$0x0] =	wrdreg $0xFFFFFFFF;
	(pc) =	sbr.abs _section_cstart, $3  }
0xc3: {  	[dreg:$0x1] =	wrdreg $0xFFFFFFFF  }
0xc4: {  	_ =	task.clear_ibuf [dreg:s8], $0x2FFFF;
	_ =	strace $0x9FFFFFFF  }
0xc5: {  	(tm) =	ssettm $0x7FFFFFFF  }
tec
execute0_lowered:
.L_overlay_start_1:
0x0: {  	(tag) =	ssettag $0x1  }
0x1: {  	s9 =	rddreg [dreg:$0x0]  }
0x2: {  	s1 =	rddreg [dreg:$0x1]  }
0x3: {  	s3 =	rddreg [dreg:$0x2]  }
0x4: {  	s4 =	rddreg [dreg:$0x3]  }
0x5: {  	s0 =	rddreg [dreg:$0x4];
	s6 =	srdreg.scid  }
0x6: {  	s2 =	stileid.u32;
	s5 =	simm.s32 $0x0;
	s15 =	simm.s32 $0x13C00  }
0x7: {  	s16 =	simm.s32 $0x13C80;
	s17 =	simm.s32 $0x13D00;
	s18 =	simm.s32 $0x80  }
0x8: {  	s19 =	simm.s32 $0x13D80;
	s20 =	simm.s32 $0x1;
	s10 =	sand.u32 $0x1, s6  }
0x9: {  	s8 =	smul.u32 $0x2780, s2;
	[smem:$0x7FF] =	sst s5;
	s6 =	sadd.s32 $0xAA00, s9  }
0xa: {  	s7 =	sadd.s32 $0xC00, s9;
	s13 =	smul.u32 $0x4F000, s2;
	s31 =	sshll.u32 s2, $0x6  }
0xb: {  	s11 =	smul.u32 $0x27800, s10;
	_ =	strace $0x80000047;
	s12 =	ssub.s32 $0x2, s10  }
0xc: {  	s28 =	sshll.u32 s10, $0x4;
	s26 =	sshrl.u32 s12, $0x1;
	s29 =	sshrl.u32 s13, $0x2  }
0xd: {  	s30 =	sor.u32 s2, s28;
	s11 =	sadd.s32 s8, s11;
	s8 =	sadd.s32 $0x14800, s9  }
0xe: {  	s12 =	ssub.s32 s12, s26;
	s14 =	sadd.s32 s29, s4;
	s10 =	smul.u32 $0x4F, s30  }
0xf: {  	s11 =	sadd.s32 s11, s9;
	s9 =	sor.u32 $0x1C02, s31;
	s12 =	smax.u32 s12, $0x1  }
0x10: {  	s13 =	sshrl.u32 s14, $0x3;
	s14 =	simm.s32 $0x2;
	s11 =	sadd.s32 $0x17000, s11  }
.LBB2_1:
0x11: {  	[spmem:s13], [sflag:s9] =	dma.local [hbm:s8], $0x2780  }
0x12: {  	_ =	swait.ge [sflag:s14], $0x2780  }
0x13: {  	[sflag:s14] =	ssyncset.done $0x0  }
0x14: {  	[sflag:s14] =	ssyncadd.s32 $0xFFFFD880  }
0x15: {  	s21 =	simm.s32 $0x0;
	[bflag:$0x0] =	sbarrier.arrive $0xFFFF  }
.LBB2_2:
0x16: {  	s22 =	sadd.s32 s10, s21  }
0x17: {  	s22 =	sshll.u32 s22, $0x4  }
0x18: {  	s24 =	simm.s32 $0x0;
	s23 =	sadd.s32 s6, s22  }
0x19: {  	[tilespmem:s15], [sflag:$0x2] =	stream.linear.gather [hbm4b:s23+s24], $0x80, $0x38;
	[tilespmem:$0x17D80] =	vst v63  }
0x1a: {  	_ =	swait.ge [sflag:s14], $0x80  }
0x1b: {  	[sflag:s14] =	ssyncset.done $0x0  }
0x1c: {  	s31 =	sadd.s32 s1, s22;
	[sflag:s14] =	ssyncadd.s32 $0xFFFFFF80  }
0x1d: {  	[tilespmem:s16], [sflag:$0x2] =	stream.linear.gather [hbm4b:s31+s24], $0x80, $0x38;
	[tilespmem:$0x17D80] =	vst v63  }
0x1e: {  	_ =	swait.ge [sflag:s14], $0x80  }
0x1f: {  	[sflag:s14] =	ssyncset.done $0x0  }
0x20: {  	s22 =	sadd.s32 s7, s22;
	[sflag:s14] =	ssyncadd.s32 $0xFFFFFF80  }
0x21: {  	[tilespmem:s17], [sflag:$0x2] =	stream.linear.gather [hbm4b:s22+s24], $0x80, $0x38;
	[tilespmem:$0x17D80] =	vst v63  }
0x22: {  	_ =	swait.ge [sflag:s14], $0x80  }
0x23: {  	[sflag:s14] =	ssyncset.done $0x0  }
0x24: {  	[sflag:s14] =	ssyncadd.s32 $0xFFFFFF80  }
0x25: {  	[tilespmem:s19], [sflag:$0x1] =	stream.indirect.gather [hbm4b:s3+s18], $0x80, s15, s18, $0xb8;
	[tilespmem:$0x17D80] =	vst v63  }
0x26: {  	_ =	swait.ge [sflag:s20], $0x4000  }
0x27: {  	v0 =	vmov s24;
	[sflag:s20] =	ssyncset.done $0x0  }
0x28: {  	s22 =	simm.s32 $0x13DC0;
	[sflag:s20] =	ssyncadd.s32 $0xFFFFC000  }
0x29: {  	v4 =	vld [tilespmem:s22+$0x30]  }
0x2a: {  	v7 =	vld [tilespmem:s22+$0x10]  }
0x2b: {  	v5 =	vld [tilespmem:s22+$0xFFFFFFC0]  }
0x2c: {  	v1 =	vld.idx.msk [tilespmem:v0+s17+$0x0], $0xffff  }
0x2d: {  	v9 =	vld [tilespmem:s22+$0xFFFFFFE0]  }
0x2e: {  	v0 =	vld [tilespmem:s22+$0xFFFFFFF0]  }
0x2f: {  	v2 =	vld [tilespmem:s22+$0x20]  }
0x30: {  	v3 =	vld [tilespmem:s22+$0xFFFFFFD0]  }
0x31: {  	v8 =	vmul.f32 v4, v1;
	v4 =	vld [tilespmem:s22+$0x0]  }
0x32: {  	v6 =	vmul.f32 v5, v1  }
0x33: {  	s23 =	simm.s32 $0x1;
	s24 =	simm.s32 $0x13DC0;
	v5 =	vmul.f32 v9, v1;
	v7 =	vmul.f32 v7, v1  }
.LBB2_3:
0x34: {  	p0 =	sne.s32 s23, $0x7F  }
0x35: {  	v3 =	vmul.f32 v3, v1;
	v2 =	vmul.f32 v2, v1;
	[tilespmem:s22+$0x30] =	vst v8;
	s24 =	sadd.s32 $0x80, s24;
	s25 =	smov.u32 s23;
	s23 =	sadd.s32 $0x1, s23  }
0x36: {  	[tilespmem:s22+$0xFFFFFFC0] =	vst v6;
	v6 =	vmul.f32 v0, v1;
	v1 =	vmul.f32 v4, v1  }
0x37: {  	[tilespmem:s22+$0x10] =	vst v7  }
0x38: {  	v4 =	vmov s25;
	[tilespmem:s22+$0xFFFFFFE0] =	vst v5  }
0x39: {  	v0 =	vld [tilespmem:s24+$0xFFFFFFF0];
	[tilespmem:s22+$0xFFFFFFF0] =	vst v6  }
0x3a: {  	v5 =	vld [tilespmem:s24+$0x30];
	[tilespmem:s22+$0x0] =	vst v1  }
0x3b: {  	v7 =	vld [tilespmem:s24+$0x10];
	[tilespmem:s22+$0x20] =	vst v2  }
0x3c: {  	v6 =	vld [tilespmem:s24+$0xFFFFFFC0];
	[tilespmem:s22+$0xFFFFFFD0] =	vst v3;
	s22 =	smov.u32 s24  }
0x3d: {  	v1 =	vld.idx.msk [tilespmem:v4+s17+$0x0], $0xffff  }
0x3e: {  	v9 =	vld [tilespmem:s24+$0xFFFFFFE0]  }
0x3f: {  	v2 =	vld [tilespmem:s24+$0x20]  }
.Ltmp0:
0x40: {  	v3 =	vld [tilespmem:s24+$0xFFFFFFD0];
	(pc) =	sbr.rel @p0 .LBB2_3-.Ltmp0, $3  }
0x41: {  	v4 =	vld [tilespmem:s24+$0x0];
	_ =	sdelay $0x1  }
0x42: {  	v6 =	vmul.f32 v6, v1;
	v8 =	vmul.f32 v5, v1  }
0x43: {  	v7 =	vmul.f32 v7, v1;
	v5 =	vmul.f32 v9, v1  }
0x44: {  	[tilespmem:s22+$0x30] =	vst v8  }
0x45: {  	[tilespmem:s22+$0xFFFFFFC0] =	vst v6  }
0x46: {  	v0 =	vmul.f32 v0, v1;
	[tilespmem:s22+$0x10] =	vst v7  }
0x47: {  	v2 =	vmul.f32 v2, v1;
	[tilespmem:s22+$0xFFFFFFE0] =	vst v5  }
0x48: {  	v63 =	vmul.f32 v3, v1;
	[tilespmem:s22+$0xFFFFFFF0] =	vst v0  }
0x49: {  	s21 =	sadd.s32 $0x1, s21;
	v4 =	vmul.f32 v4, v1;
	[tilespmem:s22+$0x20] =	vst v2  }
0x4a: {  	p0 =	sne.s32 s21, $0x4F;
	[tilespmem:s22+$0xFFFFFFD0] =	vst v63  }
.Ltmp1:
0x4b: {  	[tilespmem:s22+$0x0] =	vst v4;
	(pc) =	sbr.rel @p0 .LBB2_2-.Ltmp1, $4  }
0x4c: {  	[spmem:s4] =	stream.indirect.scatter.add.f32 [tilespmem:s19], [sflag:$0x2], $0x80, s16, s18, $0xb8;
	[tilespmem:$0x17D80] =	vst v63  }
0x4d: {  	_ =	swait.ge [sflag:s14], $0x4000  }
0x4e: {  	[sflag:s14] =	ssyncset.done $0x0  }
0x4f: {  	[sflag:s14] =	ssyncadd.s32 $0xFFFFC000  }
0x50: {  	s5 =	sadd.s32 $0x1, s5  }
0x51: {  	p0 =	sne.s32 s5, s12  }
.Ltmp2:
0x52: {  	[bflag:$0x0] =	sbarrier.arrive $0xFFFF;
	(pc) =	sbr.rel @p0 .LBB2_1-.Ltmp2, $4  }
0x53: {  	[hbm:s11], [sflag:s9] =	dma.local [spmem:s13], $0x2780  }
0x54: {  	_ =	swait.ge [sflag:s14], $0x2780  }
0x55: {  	[sflag:s14] =	ssyncset.done $0x0  }
0x56: {  	[sflag:s14] =	ssyncadd.s32 $0xFFFFD880  }
0x57: {  	_ =	sfence.sel $0x180000  }
0x58: {  	[bflag:$0x0] =	sbarrier.arrive $0xFFFF  }
0x59: {  	p0 =	sne.s32 s2, $0x0;
	_ =	strace $0x90000047  }
0x5a: {  	s0 =	sadd.s32 @!p0 $0x100000, s0;
	[bflag:$0x2] =	sbarrier.arrive $0xFFFF  }
0x5b: {  	[sflag:s0] =	ssyncadd.tile.s32 @!p0 $0x1;
	_ =	shalt  }
.Lfunc_end2:
_tile_overlayer_lowered:
.L_overlay_start_2:
0x5c: {  	(tag) =	ssettag $0x2  }
0x5d: {  	s0 =	rddreg [dreg:$0x0];
	s2 =	stileid.u32  }
0x5e: {  	s1 =	rddreg [dreg:$0x1];
	p0 =	sne.s32 s2, $0x0  }
0x5f: {  	s3 =	rddreg [dreg:$0x2];
	[bflag:$0x3] =	sbarrier.arrive $0xFFFF;
	s2 =	simm.s32 @!p0 $0x1C02  }
0x60: {  	[timem:s3], [sflag:s2] =	dma.local @!p0 [hbm:s0], s1  }
0x61: {  	s0 =	simm.s32 @!p0 $0x2  }
0x62: {  	_ =	swait.ge @!p0 [sflag:s0], s1  }
0x63: {  	s1 =	ssub.s32 @!p0 $0x0, s1;
	[sflag:s0] =	ssyncset.done @!p0 $0x0  }
0x64: {  	[sflag:s0] =	ssyncadd.s32 @!p0 s1  }
0x65: {  	[bflag:$0x3] =	sbarrier.arrive $0xFFFF  }
0x66: {  	_ =	shalt  }

</sc_bundles>
